<compile_context>
chip_gen: v7x
topology: tpu7x:2x2x1
jax: 0.10.2.dev20260603
libtpu: 0.0.44.dev20260713+nightly
codegen_flags: <defaults>
</compile_context>

<pallas_src>
import jax
import jax.numpy as jnp
from jax import lax
from jax.experimental import pallas as pl
from jax.experimental.pallas import tpu as pltpu
from jax.experimental.pallas import tpu_sc as plsc

_N = 1024
_HW = 784
_NC = 81
_ROW = _HW * _NC

_NCORES = 2
_NSUB = 16
_NW = _NCORES * _NSUB
_RPW = _N // _NW
_CHUNK = 112
_CPR = _HW // _CHUNK
_ROWS = _RPW * _CPR

_BB = 128
_NBLK = _N // _BB


def _sc_gather_body(pred_hbm, ids_hbm, out_hbm, ids_v, idx_v, buf_v, sem):
    c = lax.axis_index("c")
    s = lax.axis_index("s")
    wid = s * _NCORES + c
    pltpu.sync_copy(ids_hbm.at[pl.ds(wid * _RPW, _RPW)], ids_v)
    lanes = lax.iota(jnp.int32, 16)

    def fire(j, r):
        row = j * _CPR + r
        pltpu.async_copy(
            pred_hbm.at[idx_v.at[row]],
            buf_v.at[pl.ds(row * _CHUNK, _CHUNK)], sem)

    def drain(j, r):
        row = j * _CPR + r
        pltpu.make_async_copy(
            pred_hbm.at[idx_v.at[row]],
            buf_v.at[pl.ds(row * _CHUNK, _CHUNK)], sem).wait()

    def per_roi(j, carry):
        grp = ids_v[pl.ds((j // 16) * 16, 16)]
        c_id = jnp.sum(jnp.where(lanes == (j % 16), grp, 0))
        rbase = (wid * _RPW + j) * _ROW
        base = rbase + c_id + lanes * _NC

        def chunk(a, _):
            vec = base + a * (_NC * 16)
            idx_v[j * _CPR + a // 7, pl.ds((a % 7) * 16, 16)] = vec
            return _

        lax.fori_loop(0, 49, chunk, 0, unroll=False)

        def f(r, _):
            fire(j, r)
            return _

        lax.fori_loop(0, _CPR, f, 0, unroll=False)

        @pl.when(j > 0)
        def _():
            def d(r, _):
                drain(j - 1, r)
                return _

            lax.fori_loop(0, _CPR, d, 0, unroll=False)
        return carry

    lax.fori_loop(0, _RPW, per_roi, 0, unroll=False)

    def dlast(r, _):
        drain(_RPW - 1, r)
        return _

    lax.fori_loop(0, _CPR, dlast, 0, unroll=False)
    pltpu.sync_copy(
        buf_v, out_hbm.at[pl.ds(wid * _ROWS * _CHUNK, _ROWS * _CHUNK)])


_FB = _N * _HW // _NBLK


def _bce_body(t_ref, yp_ref, m_ref, out_ref):
    i = pl.program_id(0)
    t = t_ref[...]
    yp = yp_ref[...]
    m = m_ref[...]

    eps = jnp.float32(1e-7)
    p = jnp.clip(yp, eps, 1.0 - eps)
    bce = -(t * jnp.log(p) + (1.0 - t) * jnp.log(1.0 - p))
    bsum = jnp.sum(bce * m)
    bcnt = jnp.sum(m) / jnp.float32(_HW)

    @pl.when(i == 0)
    def _init():
        out_ref[0, 0] = 0.0
        out_ref[0, 1] = 0.0

    out_ref[0, 0] += bsum
    out_ref[0, 1] += bcnt

    @pl.when(i == _NBLK - 1)
    def _fini():
        total = out_ref[0, 0]
        cnt = out_ref[0, 1]
        denom = jnp.maximum(cnt, 1.0) * jnp.float32(_HW)
        out_ref[0, 0] = jnp.where(cnt > 0, total / denom, jnp.float32(0.0))


@jax.jit
def kernel(true_masks, target_class_ids, pred_masks):
    ids = target_class_ids.reshape(_N).astype(jnp.int32)
    pred_flat = pred_masks.reshape(_N * _ROW)
    t = true_masks.reshape(_N, _HW)

    gather = pl.kernel(
        _sc_gather_body,
        out_type=jax.ShapeDtypeStruct((_N * _HW,), jnp.float32),
        mesh=plsc.VectorSubcoreMesh(
            core_axis_name="c", subcore_axis_name="s",
            num_cores=_NCORES, num_subcores=_NSUB),
        scratch_types=[
            pltpu.VMEM((_RPW,), jnp.int32),
            pltpu.VMEM((_ROWS, _CHUNK), jnp.int32),
            pltpu.VMEM((_ROWS * _CHUNK,), jnp.float32),
            pltpu.SemaphoreType.DMA,
        ],
        compiler_params=pltpu.CompilerParams(needs_layout_passes=False),
    )
    yp = gather(pred_flat, ids)
    vmask = jnp.broadcast_to(
        (ids > 0).astype(jnp.float32)[:, None], (_N, _HW)).reshape(_N * _HW)

    out = pl.pallas_call(
        _bce_body,
        grid=(_NBLK,),
        in_specs=[
            pl.BlockSpec((_FB,), lambda i: (i,)),
            pl.BlockSpec((_FB,), lambda i: (i,)),
            pl.BlockSpec((_FB,), lambda i: (i,)),
        ],
        out_specs=pl.BlockSpec(
            (1, 2), lambda i: (0, 0), memory_space=pltpu.SMEM
        ),
        out_shape=jax.ShapeDtypeStruct((1, 2), jnp.float32),
    )(t.reshape(_N * _HW), yp, vmask)
    return out[0, 0]

# --- scband reference (transcript-rebuilt; emitter-appended) ---
"""Pipeline reference for scband-mask-loss-25580825215446 (READ-ONLY COPY).

The authoritative reference and input builder live on the scoring server;
editing this copy changes nothing except your own understanding.
"""

import jax, jax.numpy as jnp
import numpy as np


def setup_inputs(seed: int = 0) -> dict:
    key = jax.random.key(seed)
    k1, k2, k3 = jax.random.split(key, 3)
    true_masks = jax.random.uniform(k1, (4, 256, 28, 28), dtype=jnp.float32)
    target_class_ids = jax.random.randint(k2, (4, 256), 0, 81, dtype=jnp.int64)
    pred_masks = jax.random.uniform(k3, (4, 256, 28, 28, 81), dtype=jnp.float32)
    return {"true_masks": true_masks, "target_class_ids": target_class_ids, "pred_masks": pred_masks}


def reference(true_masks, target_class_ids, pred_masks):
    # reshape_data: flatten batch*num_rois, move class axis first on preds
    h, w = true_masks.shape[2], true_masks.shape[3]
    target_ids = target_class_ids.reshape(-1)
    tm = true_masks.reshape(-1, h, w)
    ph, pw, nc = pred_masks.shape[2], pred_masks.shape[3], pred_masks.shape[4]
    pm = pred_masks.reshape(-1, ph, pw, nc)
    pm = jnp.transpose(pm, (0, 3, 1, 2))  # [N, num_classes, h, w]
    # positive ROIs (class id > 0)
    n = target_ids.shape[0]
    positive_mask = target_ids > 0
    count = jnp.sum(positive_mask)
    positive_indices = jnp.where(positive_mask, size=n, fill_value=0)[0]
    positive_class_ids = jnp.take(target_ids, positive_indices).astype(jnp.int32)
    y_true = jnp.take(tm, positive_indices, axis=0)  # [N, h, w] padded
    y_pred = pm[positive_indices, positive_class_ids]  # gather_nd -> [N, h, w] padded
    eps = 1e-7  # Keras backend epsilon used by binary_crossentropy clipping
    p = jnp.clip(y_pred, eps, 1.0 - eps)
    bce = -(y_true * jnp.log(p) + (1.0 - y_true) * jnp.log(1.0 - p))
    valid = (jnp.arange(n) < count).astype(bce.dtype)
    total = jnp.sum(bce * valid[:, None, None])
    denom = jnp.maximum(count, 1).astype(bce.dtype) * h * w
    loss = jnp.where(count > 0, total / denom, jnp.float32(0.0))
    return loss

if __name__ == "__main__":
    import jax
    _d = setup_inputs()
    print(jax.jit(kernel)(*tuple(_d.values())))

</pallas_src>

<mosaic_0001>
#map = affine_map<(d0, d1) -> (0)>
module attributes {stable_mosaic.version = 14 : i64} {
  func.func @_sc_gather_body(%arg0: i32, %arg1: i32, %arg2: memref<65028096xf32, #tpu.memory_space<hbm>>, %arg3: memref<1024xi32, #tpu.memory_space<hbm>>, %arg4: memref<802816xf32, #tpu.memory_space<hbm>>, %arg5: memref<32xi32, #tpu.memory_space<vmem>>, %arg6: memref<224x112xi32, #tpu.memory_space<vmem>>, %arg7: memref<25088xf32, #tpu.memory_space<vmem>>, %arg8: memref<!tpu.dma_semaphore, #tpu.memory_space<semaphore_mem>>) attributes {dimension_semantics = [#tpu.dimension_semantics<core_parallel>, #tpu.dimension_semantics<subcore_parallel>], iteration_bounds = array<i64: 2, 16>, scalar_prefetch = 0 : i64, scratch_operands = 4 : i64, tpu.core_type = #tpu.core_type<sc_vector_subcore>, window_params = [{transform_indices = #map}, {transform_indices = #map}, {transform_indices = #map}]} {
    %mul3A = arith.constant 2 : i32
    %mul3A_0 = arith.muli %arg1, %mul3A : i32
    %add3A = arith.addi %mul3A_0, %arg0 : i32
    %mul3A_1 = arith.constant 32 : i32
    %mul3A_2 = arith.muli %add3A, %mul3A_1 : i32
    "tpu.region"() ({
      %run_scoped3A = tpu.sem_alloc : memref<!tpu.dma_semaphore, #tpu.memory_space<semaphore_mem>>
      %dma_start3A = tpu.memref_slice %arg3[%mul3A_2] : memref<1024xi32, #tpu.memory_space<hbm>> -> memref<32xi32, #tpu.memory_space<hbm>>
      %dma_start3A_18 = tpu.memref_slice %arg3[%mul3A_2] : memref<1024xi32, #tpu.memory_space<hbm>> -> memref<32xi32, #tpu.memory_space<hbm>>
      tpu.enqueue_dma source(%dma_start3A_18 : memref<32xi32, #tpu.memory_space<hbm>>) target(%arg5 : memref<32xi32, #tpu.memory_space<vmem>>) target_semaphore(%run_scoped3A : memref<!tpu.dma_semaphore, #tpu.memory_space<semaphore_mem>>)
      %dma_wait3A = tpu.memref_slice %arg3[%mul3A_2] : memref<1024xi32, #tpu.memory_space<hbm>> -> memref<32xi32, #tpu.memory_space<hbm>>
      %dma_wait3A_19 = tpu.memref_slice %arg3[%mul3A_2] : memref<1024xi32, #tpu.memory_space<hbm>> -> memref<32xi32, #tpu.memory_space<hbm>>
      tpu.wait_dma2 semaphore(%run_scoped3A : memref<!tpu.dma_semaphore, #tpu.memory_space<semaphore_mem>>) src(%dma_wait3A_19 : memref<32xi32, #tpu.memory_space<hbm>>) dst(%arg5 : memref<32xi32, #tpu.memory_space<vmem>>)
      tpu.yield
    }) : () -> ()
    %iota3A = tpu.iota {dimensions = array<i32: 0>} : vector<16xi32>
    %scan3A = arith.constant 0 : i32
    %scan3A_3 = arith.constant 0 : i32
    %scan3A_4 = arith.constant 32 : i32
    %scan3A_5 = arith.addi %scan3A_3, %scan3A_4 : i32
    %scan3A_6 = arith.constant 1 : i32
    scf.for %scan3A_18 = %scan3A_3 to %scan3A_5 step %scan3A_6  : i32 {
      %jit3A = arith.constant 16 : i32
      %div3A = arith.divsi %scan3A_18, %jit3A : i32
      %sign3A = arith.constant 0 : i32
      %sign3A_19 = arith.cmpi sgt, %scan3A_18, %sign3A : i32
      %sign3A_20 = arith.extui %sign3A_19 : i1 to i32
      %sign3A_21 = arith.constant 0 : i32
      %sign3A_22 = arith.cmpi slt, %scan3A_18, %sign3A_21 : i32
      %sign3A_23 = arith.extui %sign3A_22 : i1 to i32
      %sign3A_24 = arith.subi %sign3A_20, %sign3A_23 : i32
      %sign3A_25 = arith.constant 0 : i32
      %sign3A_26 = arith.cmpi sgt, %jit3A, %sign3A_25 : i32
      %sign3A_27 = arith.extui %sign3A_26 : i1 to i32
      %sign3A_28 = arith.constant 0 : i32
      %sign3A_29 = arith.cmpi slt, %jit3A, %sign3A_28 : i32
      %sign3A_30 = arith.extui %sign3A_29 : i1 to i32
      %sign3A_31 = arith.subi %sign3A_27, %sign3A_30 : i32
      %ne3A = arith.cmpi ne, %sign3A_24, %sign3A_31 : i32
      %rem3A = arith.remsi %scan3A_18, %jit3A : i32
      %ne3A_32 = arith.constant 0 : i32
      %ne3A_33 = arith.cmpi ne, %rem3A, %ne3A_32 : i32
      %and3A = arith.andi %ne3A, %ne3A_33 : i1
      %sub3A = arith.constant 1 : i32
      %sub3A_34 = arith.subi %div3A, %sub3A : i32
      %select_n3A = arith.select %and3A, %sub3A_34, %div3A : i32
      %mul3A_35 = arith.constant 16 : i32
      %mul3A_36 = arith.muli %select_n3A, %mul3A_35 : i32
      %get3A = arith.index_cast %mul3A_36 : i32 to index
      %get3A_37 = tpu.vector_load %arg5[%get3A] {strides = array<i32>} : memref<32xi32, #tpu.memory_space<vmem>>, vector<16xi32>,
      %jit3A_38 = arith.constant 16 : i32
      %eq3A = arith.constant 0 : i32
      %eq3A_39 = arith.cmpi eq, %jit3A_38, %eq3A : i32
      %jit3A_40 = arith.constant 1 : i32
      %select_n3A_41 = arith.select %eq3A_39, %jit3A_40, %jit3A_38 : i32
      %rem3A_42 = arith.remsi %scan3A_18, %select_n3A_41 : i32
      %ne3A_43 = arith.constant 0 : i32
      %ne3A_44 = arith.cmpi ne, %rem3A_42, %ne3A_43 : i32
      %lt3A = arith.constant 0 : i32
      %lt3A_45 = arith.cmpi slt, %rem3A_42, %lt3A : i32
      %lt3A_46 = arith.constant 0 : i32
      %lt3A_47 = arith.cmpi slt, %select_n3A_41, %lt3A_46 : i32
      %ne3A_48 = arith.xori %lt3A_45, %lt3A_47 : i1
      %and3A_49 = arith.andi %ne3A_48, %ne3A_44 : i1
      %add3A_50 = arith.addi %rem3A_42, %select_n3A_41 : i32
      %select_n3A_51 = arith.select %and3A_49, %add3A_50, %rem3A_42 : i32
      %eq3A_52 = vector.broadcast %select_n3A_51 : i32 to vector<16xi32>
      %eq3A_53 = arith.cmpi eq, %iota3A, %eq3A_52 : vector<16xi32>
      %jit3A_54 = arith.constant 0 : i32
      %broadcast_in_dim3A = vector.broadcast %jit3A_54 : i32 to vector<16xi32>
      %select_n3A_55 = arith.select %eq3A_53, %get3A_37, %broadcast_in_dim3A : vector<16xi1>, vector<16xi32>
      %reduce_sum3A = arith.constant true
      %reduce_sum3A_56 = vector.broadcast %reduce_sum3A : i1 to vector<16xi1>
      %reduce_sum3A_57 = tpu.scan <sum>, %select_n3A_55 masked %reduce_sum3A_56 : vector<16xi32>, vector<16xi1> -> vector<16xi32>
      %reduce_sum3A_58 = vector.extract %reduce_sum3A_57[15] : i32 from vector<16xi32>
      %mul3A_59 = arith.constant 32 : i32
      %mul3A_60 = arith.muli %add3A, %mul3A_59 : i32
      %add3A_61 = arith.addi %mul3A_60, %scan3A_18 : i32
      %mul3A_62 = arith.constant 63504 : i32
      %mul3A_63 = arith.muli %add3A_61, %mul3A_62 : i32
      %add3A_64 = arith.addi %mul3A_63, %reduce_sum3A_58 : i32
      %mul3A_65 = arith.constant 81 : i32
      %mul3A_66 = vector.broadcast %mul3A_65 : i32 to vector<16xi32>
      %mul3A_67 = arith.muli %iota3A, %mul3A_66 : vector<16xi32>
      %add3A_68 = vector.broadcast %add3A_64 : i32 to vector<16xi32>
      %add3A_69 = arith.addi %add3A_68, %mul3A_67 : vector<16xi32>
      %scan3A_70 = arith.constant 0 : i32
      %scan3A_71 = arith.constant 0 : i32
      %scan3A_72 = arith.constant 49 : i32
      %scan3A_73 = arith.addi %scan3A_71, %scan3A_72 : i32
      %scan3A_74 = arith.constant 1 : i32
      scf.for %scan3A_84 = %scan3A_71 to %scan3A_73 step %scan3A_74  : i32 {
        %mul3A_85 = arith.constant 1296 : i32
        %mul3A_86 = arith.muli %scan3A_84, %mul3A_85 : i32
        %add3A_87 = vector.broadcast %mul3A_86 : i32 to vector<16xi32>
        %add3A_88 = arith.addi %add3A_69, %add3A_87 : vector<16xi32>
        %mul3A_89 = arith.constant 7 : i32
        %mul3A_90 = arith.muli %scan3A_18, %mul3A_89 : i32
        %jit3A_91 = arith.constant 7 : i32
        %div3A_92 = arith.divsi %scan3A_84, %jit3A_91 : i32
        %sign3A_93 = arith.constant 0 : i32
        %sign3A_94 = arith.cmpi sgt, %scan3A_84, %sign3A_93 : i32
        %sign3A_95 = arith.extui %sign3A_94 : i1 to i32
        %sign3A_96 = arith.constant 0 : i32
        %sign3A_97 = arith.cmpi slt, %scan3A_84, %sign3A_96 : i32
        %sign3A_98 = arith.extui %sign3A_97 : i1 to i32
        %sign3A_99 = arith.subi %sign3A_95, %sign3A_98 : i32
        %sign3A_100 = arith.constant 0 : i32
        %sign3A_101 = arith.cmpi sgt, %jit3A_91, %sign3A_100 : i32
        %sign3A_102 = arith.extui %sign3A_101 : i1 to i32
        %sign3A_103 = arith.constant 0 : i32
        %sign3A_104 = arith.cmpi slt, %jit3A_91, %sign3A_103 : i32
        %sign3A_105 = arith.extui %sign3A_104 : i1 to i32
        %sign3A_106 = arith.subi %sign3A_102, %sign3A_105 : i32
        %ne3A_107 = arith.cmpi ne, %sign3A_99, %sign3A_106 : i32
        %rem3A_108 = arith.remsi %scan3A_84, %jit3A_91 : i32
        %ne3A_109 = arith.constant 0 : i32
        %ne3A_110 = arith.cmpi ne, %rem3A_108, %ne3A_109 : i32
        %and3A_111 = arith.andi %ne3A_107, %ne3A_110 : i1
        %sub3A_112 = arith.constant 1 : i32
        %sub3A_113 = arith.subi %div3A_92, %sub3A_112 : i32
        %select_n3A_114 = arith.select %and3A_111, %sub3A_113, %div3A_92 : i32
        %add3A_115 = arith.addi %mul3A_90, %select_n3A_114 : i32
        %jit3A_116 = arith.constant 7 : i32
        %eq3A_117 = arith.constant 0 : i32
        %eq3A_118 = arith.cmpi eq, %jit3A_116, %eq3A_117 : i32
        %jit3A_119 = arith.constant 1 : i32
        %select_n3A_120 = arith.select %eq3A_118, %jit3A_119, %jit3A_116 : i32
        %rem3A_121 = arith.remsi %scan3A_84, %select_n3A_120 : i32
        %ne3A_122 = arith.constant 0 : i32
        %ne3A_123 = arith.cmpi ne, %rem3A_121, %ne3A_122 : i32
        %lt3A_124 = arith.constant 0 : i32
        %lt3A_125 = arith.cmpi slt, %rem3A_121, %lt3A_124 : i32
        %lt3A_126 = arith.constant 0 : i32
        %lt3A_127 = arith.cmpi slt, %select_n3A_120, %lt3A_126 : i32
        %ne3A_128 = arith.xori %lt3A_125, %lt3A_127 : i1
        %and3A_129 = arith.andi %ne3A_128, %ne3A_123 : i1
        %add3A_130 = arith.addi %rem3A_121, %select_n3A_120 : i32
        %select_n3A_131 = arith.select %and3A_129, %add3A_130, %rem3A_121 : i32
        %mul3A_132 = arith.constant 16 : i32
        %mul3A_133 = arith.muli %select_n3A_131, %mul3A_132 : i32
        %swap3A = arith.index_cast %add3A_115 : i32 to index
        %swap3A_134 = arith.index_cast %mul3A_133 : i32 to index
        %swap3A_135 = tpu.vector_load %arg6[%swap3A, %swap3A_134] {strides = array<i32>} : memref<224x112xi32, #tpu.memory_space<vmem>>, vector<16xi32>,
        tpu.vector_store %arg6[%swap3A, %swap3A_134], %add3A_88 {strides = array<i32>} : memref<224x112xi32, #tpu.memory_space<vmem>>, vector<16xi32>,
      }
      %scan3A_75 = arith.constant 49 : i32
      %scan3A_76 = arith.constant 0 : i32
      %scan3A_77 = arith.constant 0 : i32
      %scan3A_78 = arith.constant 7 : i32
      %scan3A_79 = arith.addi %scan3A_77, %scan3A_78 : i32
      %scan3A_80 = arith.constant 1 : i32
      scf.for %scan3A_84 = %scan3A_77 to %scan3A_79 step %scan3A_80  : i32 {
        %mul3A_85 = arith.constant 7 : i32
        %mul3A_86 = arith.muli %scan3A_18, %mul3A_85 : i32
        %add3A_87 = arith.addi %mul3A_86, %scan3A_84 : i32
        %mul3A_88 = arith.constant 112 : i32
        %mul3A_89 = arith.muli %add3A_87, %mul3A_88 : i32
        %dma_start3A = tpu.memref_slice %arg7[%mul3A_89] : memref<25088xf32, #tpu.memory_space<vmem>> -> memref<112xf32, #tpu.memory_space<vmem>>
        %dma_start3A_90 = arith.constant 0 : i32
        %dma_start3A_91 = tpu.memref_slice %arg6[%add3A_87, %dma_start3A_90] : memref<224x112xi32, #tpu.memory_space<vmem>> -> memref<1x112xi32, #tpu.memory_space<vmem>>
        %dma_start3A_92 = tpu.memref_squeeze %dma_start3A_91 : memref<1x112xi32, #tpu.memory_space<vmem>> -> memref<112xi32, #tpu.memory_space<vmem>>
        %dma_start3A_93 = arith.constant 0 : i32
        %dma_start3A_94 = tpu.memref_slice %arg2[%dma_start3A_93] : memref<65028096xf32, #tpu.memory_space<hbm>> -> memref<65028096xf32, #tpu.memory_space<hbm>>
        tpu.enqueue_indirect_dma source(%dma_start3A_94 : memref<65028096xf32, #tpu.memory_space<hbm>>) target(%dma_start3A : memref<112xf32, #tpu.memory_space<vmem>>) offsets(%dma_start3A_92 : memref<112xi32, #tpu.memory_space<vmem>>) semaphore(%arg8 : memref<!tpu.dma_semaphore, #tpu.memory_space<semaphore_mem>>)
      }
      %scan3A_81 = arith.constant 7 : i32
      %gt3A = arith.constant 0 : i32
      %gt3A_82 = arith.cmpi sgt, %scan3A_18, %gt3A : i32
      %convert_element_type3A = arith.extui %gt3A_82 : i1 to i32
      %cond3A = arith.constant 0 : i32
      %cond3A_83 = arith.cmpi ne, %convert_element_type3A, %cond3A : i32
      scf.if %cond3A_83 {
        %scan3A_84 = arith.constant 0 : i32
        %scan3A_85 = arith.constant 0 : i32
        %scan3A_86 = arith.constant 7 : i32
        %scan3A_87 = arith.addi %scan3A_85, %scan3A_86 : i32
        %scan3A_88 = arith.constant 1 : i32
        scf.for %scan3A_90 = %scan3A_85 to %scan3A_87 step %scan3A_88  : i32 {
          %sub3A_91 = arith.constant 1 : i32
          %sub3A_92 = arith.subi %scan3A_18, %sub3A_91 : i32
          %mul3A_93 = arith.constant 7 : i32
          %mul3A_94 = arith.muli %sub3A_92, %mul3A_93 : i32
          %add3A_95 = arith.addi %mul3A_94, %scan3A_90 : i32
          %mul3A_96 = arith.constant 112 : i32
          %mul3A_97 = arith.muli %add3A_95, %mul3A_96 : i32
          %dma_wait3A = tpu.memref_slice %arg7[%mul3A_97] : memref<25088xf32, #tpu.memory_space<vmem>> -> memref<112xf32, #tpu.memory_space<vmem>>
          %dma_wait3A_98 = arith.constant 0 : i32
          %dma_wait3A_99 = tpu.memref_slice %arg6[%add3A_95, %dma_wait3A_98] : memref<224x112xi32, #tpu.memory_space<vmem>> -> memref<1x112xi32, #tpu.memory_space<vmem>>
          %dma_wait3A_100 = tpu.memref_squeeze %dma_wait3A_99 : memref<1x112xi32, #tpu.memory_space<vmem>> -> memref<112xi32, #tpu.memory_space<vmem>>
          %dma_wait3A_101 = arith.constant 0 : i32
          %dma_wait3A_102 = tpu.memref_slice %arg2[%dma_wait3A_101] : memref<65028096xf32, #tpu.memory_space<hbm>> -> memref<65028096xf32, #tpu.memory_space<hbm>>
          tpu.wait_indirect_dma semaphore(%arg8 : memref<!tpu.dma_semaphore, #tpu.memory_space<semaphore_mem>>) src(%dma_wait3A_102 : memref<65028096xf32, #tpu.memory_space<hbm>>) dst(%dma_wait3A : memref<112xf32, #tpu.memory_space<vmem>>)
        }
        %scan3A_89 = arith.constant 7 : i32
      } else {
      }
    }
    %scan3A_7 = arith.constant 32 : i32
    %scan3A_8 = arith.constant 0 : i32
    %scan3A_9 = arith.constant 0 : i32
    %scan3A_10 = arith.constant 7 : i32
    %scan3A_11 = arith.addi %scan3A_9, %scan3A_10 : i32
    %scan3A_12 = arith.constant 1 : i32
    scf.for %scan3A_18 = %scan3A_9 to %scan3A_11 step %scan3A_12  : i32 {
      %add3A_19 = arith.constant 217 : i32
      %add3A_20 = arith.addi %add3A_19, %scan3A_18 : i32
      %mul3A_21 = arith.constant 112 : i32
      %mul3A_22 = arith.muli %add3A_20, %mul3A_21 : i32
      %dma_wait3A = tpu.memref_slice %arg7[%mul3A_22] : memref<25088xf32, #tpu.memory_space<vmem>> -> memref<112xf32, #tpu.memory_space<vmem>>
      %dma_wait3A_23 = arith.constant 0 : i32
      %dma_wait3A_24 = tpu.memref_slice %arg6[%add3A_20, %dma_wait3A_23] : memref<224x112xi32, #tpu.memory_space<vmem>> -> memref<1x112xi32, #tpu.memory_space<vmem>>
      %dma_wait3A_25 = tpu.memref_squeeze %dma_wait3A_24 : memref<1x112xi32, #tpu.memory_space<vmem>> -> memref<112xi32, #tpu.memory_space<vmem>>
      %dma_wait3A_26 = arith.constant 0 : i32
      %dma_wait3A_27 = tpu.memref_slice %arg2[%dma_wait3A_26] : memref<65028096xf32, #tpu.memory_space<hbm>> -> memref<65028096xf32, #tpu.memory_space<hbm>>
      tpu.wait_indirect_dma semaphore(%arg8 : memref<!tpu.dma_semaphore, #tpu.memory_space<semaphore_mem>>) src(%dma_wait3A_27 : memref<65028096xf32, #tpu.memory_space<hbm>>) dst(%dma_wait3A : memref<112xf32, #tpu.memory_space<vmem>>)
    }
    %scan3A_13 = arith.constant 7 : i32
    %mul3A_14 = arith.constant 224 : i32
    %mul3A_15 = arith.muli %add3A, %mul3A_14 : i32
    %mul3A_16 = arith.constant 112 : i32
    %mul3A_17 = arith.muli %mul3A_15, %mul3A_16 : i32
    "tpu.region"() ({
      %run_scoped3A = tpu.sem_alloc : memref<!tpu.dma_semaphore, #tpu.memory_space<semaphore_mem>>
      %dma_start3A = tpu.memref_slice %arg4[%mul3A_17] : memref<802816xf32, #tpu.memory_space<hbm>> -> memref<25088xf32, #tpu.memory_space<hbm>>
      %dma_start3A_18 = tpu.memref_slice %arg4[%mul3A_17] : memref<802816xf32, #tpu.memory_space<hbm>> -> memref<25088xf32, #tpu.memory_space<hbm>>
      tpu.enqueue_dma source(%arg7 : memref<25088xf32, #tpu.memory_space<vmem>>) target(%dma_start3A_18 : memref<25088xf32, #tpu.memory_space<hbm>>) target_semaphore(%run_scoped3A : memref<!tpu.dma_semaphore, #tpu.memory_space<semaphore_mem>>)
      %dma_wait3A = tpu.memref_slice %arg4[%mul3A_17] : memref<802816xf32, #tpu.memory_space<hbm>> -> memref<25088xf32, #tpu.memory_space<hbm>>
      %dma_wait3A_19 = tpu.memref_slice %arg4[%mul3A_17] : memref<802816xf32, #tpu.memory_space<hbm>> -> memref<25088xf32, #tpu.memory_space<hbm>>
      tpu.wait_dma2 semaphore(%run_scoped3A : memref<!tpu.dma_semaphore, #tpu.memory_space<semaphore_mem>>) src(%arg7 : memref<25088xf32, #tpu.memory_space<vmem>>) dst(%dma_wait3A_19 : memref<25088xf32, #tpu.memory_space<hbm>>)
      tpu.yield
    }) : () -> ()
    return
  }
}

module attributes {stable_mosaic.version = 14 : i64} {
  func.func @_bce_body(%arg0: i32, %arg1: memref<100352xf32, #tpu.memory_space<vmem>>, %arg2: memref<100352xf32, #tpu.memory_space<vmem>>, %arg3: memref<100352xf32, #tpu.memory_space<vmem>>, %arg4: memref<1x2xf32, #tpu.memory_space<smem>>) attributes {dimension_semantics = [#tpu.dimension_semantics<arbitrary>], iteration_bounds = array<i64: 8>, scalar_prefetch = 0 : i64, scratch_operands = 0 : i64, tpu.core_type = #tpu.core_type<tc>, window_params = [{transform_indices = @transform_0, window_bounds = array<i64: 100352>}, {transform_indices = @transform_1, window_bounds = array<i64: 100352>}, {transform_indices = @transform_2, window_bounds = array<i64: 100352>}, {transform_indices = @transform_3, window_bounds = array<i64: 1, 2>}]} {
    %get3A = arith.constant 0 : index
    %get3A_0 = vector.load %arg1[%get3A] : memref<100352xf32, #tpu.memory_space<vmem>>, vector<100352xf32>
    %get3A_1 = arith.constant 0 : index
    %get3A_2 = vector.load %arg2[%get3A_1] : memref<100352xf32, #tpu.memory_space<vmem>>, vector<100352xf32>
    %get3A_3 = arith.constant 0 : index
    %get3A_4 = vector.load %arg3[%get3A_3] : memref<100352xf32, #tpu.memory_space<vmem>>, vector<100352xf32>
    %sub3A = arith.constant 1.000000e+00 : f32
    %sub3A_5 = arith.constant 1.000000e-07 : f32
    %sub3A_6 = arith.subf %sub3A, %sub3A_5 : f32
    %jit3A = arith.constant 1.000000e-07 : f32
    %max3A = vector.broadcast %jit3A : f32 to vector<100352xf32>
    %max3A_7 = arith.maximumf %max3A, %get3A_2 : vector<100352xf32>
    %min3A = vector.broadcast %sub3A_6 : f32 to vector<100352xf32>
    %min3A_8 = arith.minimumf %min3A, %max3A_7 : vector<100352xf32>
    %log3A = math.log %min3A_8 : vector<100352xf32>
    %mul3A = arith.mulf %get3A_0, %log3A : vector<100352xf32>
    %sub3A_9 = arith.constant 1.000000e+00 : f32
    %sub3A_10 = vector.broadcast %sub3A_9 : f32 to vector<100352xf32>
    %sub3A_11 = arith.subf %sub3A_10, %get3A_0 : vector<100352xf32>
    %sub3A_12 = arith.constant 1.000000e+00 : f32
    %sub3A_13 = vector.broadcast %sub3A_12 : f32 to vector<100352xf32>
    %sub3A_14 = arith.subf %sub3A_13, %min3A_8 : vector<100352xf32>
    %log3A_15 = math.log %sub3A_14 : vector<100352xf32>
    %mul3A_16 = arith.mulf %sub3A_11, %log3A_15 : vector<100352xf32>
    %add3A = arith.addf %mul3A, %mul3A_16 : vector<100352xf32>
    %neg3A = arith.constant 0.000000e+00 : f32
    %neg3A_17 = vector.broadcast %neg3A : f32 to vector<100352xf32>
    %neg3A_18 = arith.subf %neg3A_17, %add3A : vector<100352xf32>
    %mul3A_19 = arith.mulf %neg3A_18, %get3A_4 : vector<100352xf32>
    %reduce_sum3A = vector.shape_cast %mul3A_19 : vector<100352xf32> to vector<1x100352xf32>
    %reduce_sum3A_20 = arith.constant dense<0.000000e+00> : vector<1xf32>
    %reduce_sum3A_21 = vector.multi_reduction <add>, %reduce_sum3A, %reduce_sum3A_20 [1] : vector<1x100352xf32> to vector<1xf32>
    %reduce_sum3A_22 = vector.shape_cast %reduce_sum3A_21 : vector<1xf32> to vector<1x1xf32>
    %reduce_sum3A_23 = vector.extract %reduce_sum3A_22[0, 0] : f32 from vector<1x1xf32>
    %reduce_sum3A_24 = vector.shape_cast %get3A_4 : vector<100352xf32> to vector<1x100352xf32>
    %reduce_sum3A_25 = arith.constant dense<0.000000e+00> : vector<1xf32>
    %reduce_sum3A_26 = vector.multi_reduction <add>, %reduce_sum3A_24, %reduce_sum3A_25 [1] : vector<1x100352xf32> to vector<1xf32>
    %reduce_sum3A_27 = vector.shape_cast %reduce_sum3A_26 : vector<1xf32> to vector<1x1xf32>
    %reduce_sum3A_28 = vector.extract %reduce_sum3A_27[0, 0] : f32 from vector<1x1xf32>
    %div3A = arith.constant 7.840000e+02 : f32
    %div3A_29 = arith.divf %reduce_sum3A_28, %div3A : f32
    %eq3A = arith.constant 0 : i32
    %eq3A_30 = arith.cmpi eq, %arg0, %eq3A : i32
    %convert_element_type3A = arith.extui %eq3A_30 : i1 to i32
    %cond3A = arith.constant 0 : i32
    %cond3A_31 = arith.cmpi ne, %convert_element_type3A, %cond3A : i32
    scf.if %cond3A_31 {
      %swap3A_50 = arith.constant 0.000000e+00 : f32
      %swap3A_51 = arith.constant 0 : index
      %swap3A_52 = arith.constant 0 : index
      %swap3A_53 = memref.load %arg4[%swap3A_51, %swap3A_52] : memref<1x2xf32, #tpu.memory_space<smem>>
      memref.store %swap3A_50, %arg4[%swap3A_51, %swap3A_52] : memref<1x2xf32, #tpu.memory_space<smem>>
      %swap3A_54 = arith.constant 0.000000e+00 : f32
      %swap3A_55 = arith.constant 0 : index
      %swap3A_56 = arith.constant 1 : index
      %swap3A_57 = memref.load %arg4[%swap3A_55, %swap3A_56] : memref<1x2xf32, #tpu.memory_space<smem>>
      memref.store %swap3A_54, %arg4[%swap3A_55, %swap3A_56] : memref<1x2xf32, #tpu.memory_space<smem>>
    } else {
    }
    %get3A_32 = arith.constant 0 : index
    %get3A_33 = arith.constant 0 : index
    %get3A_34 = memref.load %arg4[%get3A_32, %get3A_33] : memref<1x2xf32, #tpu.memory_space<smem>>
    %add3A_35 = arith.addf %get3A_34, %reduce_sum3A_23 : f32
    %swap3A = arith.constant 0 : index
    %swap3A_36 = arith.constant 0 : index
    %swap3A_37 = memref.load %arg4[%swap3A, %swap3A_36] : memref<1x2xf32, #tpu.memory_space<smem>>
    memref.store %add3A_35, %arg4[%swap3A, %swap3A_36] : memref<1x2xf32, #tpu.memory_space<smem>>
    %get3A_38 = arith.constant 0 : index
    %get3A_39 = arith.constant 1 : index
    %get3A_40 = memref.load %arg4[%get3A_38, %get3A_39] : memref<1x2xf32, #tpu.memory_space<smem>>
    %add3A_41 = arith.addf %get3A_40, %div3A_29 : f32
    %swap3A_42 = arith.constant 0 : index
    %swap3A_43 = arith.constant 1 : index
    %swap3A_44 = memref.load %arg4[%swap3A_42, %swap3A_43] : memref<1x2xf32, #tpu.memory_space<smem>>
    memref.store %add3A_41, %arg4[%swap3A_42, %swap3A_43] : memref<1x2xf32, #tpu.memory_space<smem>>
    %eq3A_45 = arith.constant 7 : i32
    %eq3A_46 = arith.cmpi eq, %arg0, %eq3A_45 : i32
    %convert_element_type3A_47 = arith.extui %eq3A_46 : i1 to i32
    %cond3A_48 = arith.constant 0 : i32
    %cond3A_49 = arith.cmpi ne, %convert_element_type3A_47, %cond3A_48 : i32
    scf.if %cond3A_49 {
      %get3A_50 = arith.constant 0 : index
      %get3A_51 = arith.constant 0 : index
      %get3A_52 = memref.load %arg4[%get3A_50, %get3A_51] : memref<1x2xf32, #tpu.memory_space<smem>>
      %get3A_53 = arith.constant 0 : index
      %get3A_54 = arith.constant 1 : index
      %get3A_55 = memref.load %arg4[%get3A_53, %get3A_54] : memref<1x2xf32, #tpu.memory_space<smem>>
      %max3A_56 = arith.constant 1.000000e+00 : f32
      %max3A_57 = arith.maximumf %get3A_55, %max3A_56 : f32
      %mul3A_58 = arith.constant 7.840000e+02 : f32
      %mul3A_59 = arith.mulf %max3A_57, %mul3A_58 : f32
      %gt3A = arith.constant 0.000000e+00 : f32
      %gt3A_60 = arith.cmpf ogt, %get3A_55, %gt3A : f32
      %div3A_61 = arith.divf %get3A_52, %mul3A_59 : f32
      %jit3A_62 = arith.constant 0.000000e+00 : f32
      %select_n3A = arith.select %gt3A_60, %div3A_61, %jit3A_62 : f32
      %swap3A_63 = arith.constant 0 : index
      %swap3A_64 = arith.constant 0 : index
      %swap3A_65 = memref.load %arg4[%swap3A_63, %swap3A_64] : memref<1x2xf32, #tpu.memory_space<smem>>
      memref.store %select_n3A, %arg4[%swap3A_63, %swap3A_64] : memref<1x2xf32, #tpu.memory_space<smem>>
    } else {
    }
    return
  }
  func.func @transform_0(%arg0: i32) -> i32 {
    %c0_i32 = arith.constant 0 : i32
    return %arg0 : i32
  }
  func.func @transform_1(%arg0: i32) -> i32 {
    %c0_i32 = arith.constant 0 : i32
    return %arg0 : i32
  }
  func.func @transform_2(%arg0: i32) -> i32 {
    %c0_i32 = arith.constant 0 : i32
    return %arg0 : i32
  }
  func.func @transform_3(%arg0: i32) -> (i32, i32) {
    %c0_i32 = arith.constant 0 : i32
    %c0_i32_0 = arith.constant 0 : i32
    %c0_i32_1 = arith.constant 0 : i32
    return %c0_i32, %c0_i32_0 : i32, i32
  }
}

</mosaic_0001>

<sc_bundles>
// kernel: kernel.4.cloned.1.call-start
scs
__scs_entry_jumppad:
0x0: {  	(pc) =	sbr.rel $0x88, $3  }
0x1: {  	(tag) =	ssettag $0x0;
	lr =	simm.s32 $0x1  }
0x2: {  	[smem:$0x3F9E] =	sst lr;
	_ =	strace $0xD0000000  }
0x3: {  	_ = 	snop  }
0x4: {  	_ = 	snop  }
0x5: {  	_ = 	snop  }
0x6: {  	_ = 	snop  }
0x7: {  	_ = 	snop  }
__scs_overlays_trampoline_lowered:
0x8: {  	[smem:$0x3FAD] =	sst s0  }
0x9: {  	[smem:$0x3FAE] =	sst s1  }
0xa: {  	[smem:$0x3FAF] =	sst s2  }
0xb: {  	[smem:$0x3FB0] =	sst s3  }
0xc: {  	[smem:$0x3FB1] =	sst s4  }
0xd: {  	[smem:$0x3FB2] =	sst s5  }
0xe: {  	[smem:$0x3FB3] =	sst s6  }
0xf: {  	[smem:$0x3FB4] =	sst s7  }
0x10: {  	[smem:$0x3FB5] =	sst s8  }
0x11: {  	[smem:$0x3FB6] =	sst s9;
	s0 =	simm.s32 @!p0 $0x0  }
0x12: {  	s1 =	sld [smem:$0x3F9C];
	s0 =	simm.s32 @p0 $0x1  }
0x13: {  	[smem:$0x3FB7] =	sst s0;
	s0 =	simm.s32 @!p1 $0x0  }
0x14: {  	s2 =	sld [smem:$0x3F9B];
	s0 =	simm.s32 @p1 $0x1  }
0x15: {  	[smem:$0x3FB8] =	sst s0;
	s0 =	simm.s32 @!p2 $0x0  }
0x16: {  	s3 =	sld [smem:$0x3FDB];
	s0 =	simm.s32 @p2 $0x1  }
0x17: {  	s4 =	simm.s32 $0x1BF5;
	[smem:$0x3FBA] =	sst s0  }
0x18: {  	s0 =	sld [smem:$0x3F9D];
	_ =	swait.ge [sflag:s4], $0x0  }
0x19: {  	s7 =	sld [smem:$0x3F9E]  }
0x1a: {  	s8 =	sadd.s32 $0xFFFFE003, lr  }
0x1b: {  	s9 =	sadd.s32 $0xFFFFFEF7, lr;
	s5 =	simm.s32 $0xFFFFFFFF;
	p2 =	slt.u32 s8, $0xFFFFF086  }
0x1c: {  	p1 =	slt.u32 s9, $0xF7A;
	s5 =	simm.s32 @!p2 $0x0  }
0x1d: {  	s5 =	simm.s32 @p1 $0x1;
	p0 =	seq.s32 s7, s2  }
0x1e: {  	s7 =	smul.u32 @!p0 $0xF7A, s2;
	p2 =	seq.s32 @!p0 s5, $0x0  }
0x1f: {  	s9 =	smul.u32 $0xF7A, s1;
	s8 =	simm.s32 @!p0 $0x1BF5;
	p2 =	por !p2, p0  }
0x20: {  	[sflag:s8] =	ssyncset.s32 @!p0 $0xFFFFF086;
	s6 =	sadd.s32 @!p0 s3, s7;
	s7 =	simm.s32 @!p0 $0x108  }
0x21: {  	s3 =	sadd.s32 s3, s9;
	s6 =	sadd.s32 @!p0 $0x88, s6;
	s7 =	simm.s32 @p2 $0x1082  }
0x22: {  	[simem:s7], [sflag:s8] =	dma.local @!p0 [hbm:s6], $0xF7A  }
0x23: {  	s9 =	sor.u32 $0xD0000000, s2;
	s6 =	simm.s32 $0x108;
	_ =	swait.ge @!p0 [sflag:s8], $0x0  }
0x24: {  	s3 =	sadd.s32 $0x88, s3;
	s6 =	simm.s32 @!p1 $0x1082;
	[sflag:s4] =	ssyncset.s32 $0xFFFFF086  }
0x25: {  	[simem:s6], [sflag:s4] =	dma.local [hbm:s3], $0xF7A  }
0x26: {  	[smem:$0x3F9E] =	sst s1;
	(tag) =	ssettag s2;
	_ =	strace s9  }
0x27: {  	s1 =	sld [smem:$0x3FAE]  }
0x28: {  	s2 =	sld [smem:$0x3FAF]  }
0x29: {  	s4 =	sld [smem:$0x3FB1]  }
0x2a: {  	p0 =	seq.s32 s5, $0x0;
	s5 =	sld [smem:$0x3FB2]  }
0x2b: {  	s6 =	sld [smem:$0x3FB3]  }
0x2c: {  	s7 =	sld [smem:$0x3FB4]  }
0x2d: {  	s3 =	simm.s32 $0x108;
	s8 =	sld [smem:$0x3FB5]  }
0x2e: {  	s3 =	simm.s32 @!p0 $0x1082;
	s9 =	sld [smem:$0x3FB6]  }
0x2f: {  	lr =	sadd.s32 s0, s3;
	s0 =	sld [smem:$0x3FAD]  }
0x30: {  	s3 =	sld [smem:$0x3FB0]  }
0x31: {  	[smem:$0x3FB9] =	sst s10  }
0x32: {  	s10 =	sld [smem:$0x3FB7];
	_ =	sdelay $0x3  }
0x33: {  	p0 =	seq.s32 s10, $0x1;
	s10 =	sld [smem:$0x3FB9];
	_ =	sdelay $0x3  }
0x34: {  	[smem:$0x3FB9] =	sst s10  }
0x35: {  	s10 =	sld [smem:$0x3FB8];
	_ =	sdelay $0x3  }
0x36: {  	p1 =	seq.s32 s10, $0x1;
	s10 =	sld [smem:$0x3FB9];
	_ =	sdelay $0x3  }
0x37: {  	[smem:$0x3FB9] =	sst s10  }
0x38: {  	s10 =	sld [smem:$0x3FBA]  }
0x39: {  	_ = 	snop;
	(pc) =	sbr.ind lr, $3  }
0x3a: {  	_ = 	snop  }
0x3b: {  	_ = 	snop  }
0x3c: {  	p2 =	seq.s32 s10, $0x1;
	s10 =	sld [smem:$0x3FB9]  }
0x3d: {  	_ =	shalt  }
0x3e: {  	_ =	shalt  }
0x3f: {  	_ =	shalt  }
0x40: {  	_ =	shalt  }
0x41: {  	_ =	shalt  }
0x42: {  	_ =	shalt  }
0x43: {  	_ =	shalt  }
0x44: {  	_ =	shalt  }
0x45: {  	_ =	shalt  }
0x46: {  	_ =	shalt  }
0x47: {  	_ =	shalt  }
0x48: {  	_ =	shalt  }
0x49: {  	_ =	shalt  }
0x4a: {  	_ =	shalt  }
0x4b: {  	_ =	shalt  }
0x4c: {  	_ =	shalt  }
0x4d: {  	_ =	shalt  }
0x4e: {  	_ =	shalt  }
0x4f: {  	_ =	shalt  }
0x50: {  	_ =	shalt  }
0x51: {  	_ =	shalt  }
0x52: {  	_ =	shalt  }
0x53: {  	_ =	shalt  }
0x54: {  	_ =	shalt  }
0x55: {  	_ =	shalt  }
0x56: {  	_ =	shalt  }
0x57: {  	_ =	shalt  }
0x58: {  	_ =	shalt  }
0x59: {  	_ =	shalt  }
0x5a: {  	_ =	shalt  }
0x5b: {  	_ =	shalt  }
0x5c: {  	_ =	shalt  }
0x5d: {  	_ =	shalt  }
0x5e: {  	_ =	shalt  }
0x5f: {  	_ =	shalt  }
0x60: {  	_ =	shalt  }
0x61: {  	_ =	shalt  }
0x62: {  	_ =	shalt  }
0x63: {  	_ =	shalt  }
0x64: {  	_ =	shalt  }
0x65: {  	_ =	shalt  }
0x66: {  	_ =	shalt  }
0x67: {  	_ =	shalt  }
0x68: {  	_ =	shalt  }
0x69: {  	_ =	shalt  }
0x6a: {  	_ =	shalt  }
0x6b: {  	_ =	shalt  }
0x6c: {  	_ =	shalt  }
0x6d: {  	_ =	shalt  }
0x6e: {  	_ =	shalt  }
0x6f: {  	_ =	shalt  }
0x70: {  	_ =	shalt  }
0x71: {  	_ =	shalt  }
0x72: {  	_ =	shalt  }
0x73: {  	_ =	shalt  }
0x74: {  	_ =	shalt  }
0x75: {  	_ =	shalt  }
0x76: {  	_ =	shalt  }
0x77: {  	_ =	shalt  }
0x78: {  	_ =	shalt  }
0x79: {  	_ =	shalt  }
0x7a: {  	_ =	shalt  }
0x7b: {  	_ =	shalt  }
0x7c: {  	_ =	shalt  }
0x7d: {  	_ =	shalt  }
0x7e: {  	_ =	shalt  }
0x7f: {  	_ =	shalt  }
0x80: {  	_ =	shalt  }
0x81: {  	_ =	shalt  }
0x82: {  	_ =	shalt  }
0x83: {  	_ =	shalt  }
0x84: {  	_ =	shalt  }
0x85: {  	_ =	shalt  }
0x86: {  	_ =	shalt  }
0x87: {  	_ =	shalt  }
.Lfunc_end0:
.L_simem_size_0:
called_computation_lowered:
.L_overlay_start_0:
0x88: {  	s2 =	sld [smem:$0x3FD9]  }
0x89: {  	s3 =	sld [smem:$0x3FFE];
	_ =	sdelay $0x1  }
0x8a: {  	s1 =	srdreg.scid  }
0x8b: {  	s0 =	sand.u32 $0x1, s1  }
0x8c: {  	s16 =	sshll.u32 s0, $0xA;
	s2 =	sadd.s32 s3, s2  }
0x8d: {  	s2 =	sadd.s32 s2, s16  }
0x8e: {  	[smem:$0x3FC5] =	sst s2  }
0x8f: {  	_ = 	snop  }
0x90: {  	(tm) =	ssettm $0x1  }
0x91: {  	s17 =	sld [smem:$0x3FFB];
	_ =	sdelay $0x3  }
0x92: {  	_ =	strace s17  }
0x93: {  	s2 =	sld [smem:$0x3FFC];
	_ =	sdelay $0x3  }
0x94: {  	_ =	strace s2  }
0x95: {  	s2 =	sld [smem:$0x3FFD];
	_ =	sdelay $0x3  }
0x96: {  	_ =	strace s2  }
0x97: {  	_ =	strace $0x8FFFFFFF  }
0x98: {  	s18 =	sld [smem:$0x3FDB];
	_ =	sdelay $0x1  }
0x99: {  	s19 =	simm.s32 $_scs_section_size  }
0x9a: {  	s4 =	simm.s32 $_size__tile_overlayer_lowered;
	s5 =	simm.s32 $_tile_overlayer_lowered  }
0x9b: {  	s22 =	simm.s32 $0x1BFF;
	s21 =	sshll.u32 s5, $0x1;
	s2 =	sadd.s32 s19, s18  }
0x9c: {  	s6 =	simm.s32 $0x0;
	s20 =	sshll.u32 s4, $0x1;
	s4 =	sadd.s32 s21, s2  }
0x9d: {  	[timem:s6], [sflag:s22] =	dma.local [hbm:s4], s20  }
0x9e: {  	_ =	swait.ge [sflag:s22], s20  }
0x9f: {  	s3 =	ssub.s32 $0x0, s20;
	[sflag:s22] =	ssyncset.done $0x0  }
0xa0: {  	[sflag:s22] =	ssyncadd.s32 s3;
	_ =	sdelay $0x1  }
0xa1: {  	s23 =	simm.s32 $0x1B8B  }
0xa2: {  	_ =	swait.ge [sflag:s23], $0x1  }
0xa3: {  	[sflag:s23] =	ssyncset.done $0x0  }
0xa4: {  	s25 =	simm.s32 $0x1B8E;
	s24 =	sld [smem:$0x3FFE];
	[sflag:s23] =	ssyncadd.s32 $0xFFFFFFFF  }
0xa5: {  	s26 =	simm.s32 $execute0_lowered;
	[smem:$0x3FD2] =	sst s25  }
0xa6: {  	s4 =	sshll.u32 s26, $0x1;
	_ =	strace $0x80000046;
	[dreg:$0x1] =	wrdreg $0xFFFFFFFF  }
0xa7: {  	s28 =	simm.s32 $_size_execute0_lowered;
	s2 =	sadd.s32 s2, s4;
	[dreg:$0x0] =	wrdreg $0x0  }
0xa8: {  	s4 =	sshll.u32 s28, $0x1;
	[dreg:$0x2] =	wrdreg s2  }
0xa9: {  	[dreg:$0x3] =	wrdreg s4  }
0xaa: {  	[dreg:$0x4] =	wrdreg $0xC0  }
0xab: {  	_ =	task [dreg:s6], $0x5FFFF  }
0xac: {  	[dreg:$0x1] =	wrdreg $0xFFFFFFFF  }
0xad: {  	[dreg:$0x0] =	wrdreg $0x60  }
0xae: {  	[dreg:$0x2] =	wrdreg s24  }
0xaf: {  	[dreg:$0x3] =	wrdreg $0x9  }
0xb0: {  	_ =	task.clear_ibuf [dreg:s6], $0x4FFFF;
	_ =	strace $0x90000046  }
0xb1: {  	s29 =	simm.s32 $0x9;
	_ =	strace $0x80000048  }
0xb2: {  	_ =	swait.ge [sflag:s29], $0x1  }
0xb3: {  	[sflag:s29] =	ssyncadd.s32 $0xFFFFFFFF  }
0xb4: {  	_ =	strace $0x90000048  }
0xb5: {  	_ =	sfence  }
0xb6: {  	s30 =	sld [smem:$0x0];
	_ =	sdelay $0x2  }
0xb7: {  	s31 =	sshll.u32 s1, $0xD;
	s1 =	sshrl.u32 s1, $0x2  }
0xb8: {  	s3 =	sand.u32 $0x4000, s31;
	s1 =	sadd.s32 s1, s30  }
0xb9: {  	s0 =	sor.u32 s3, s0;
	s1 =	sshll.u32 s1, $0x11  }
0xba: {  	s0 =	sor.u32 s1, s0  }
0xbb: {  	s0 =	sadd.s32 $0x8F2B, s0  }
0xbc: {  	[sflag:s0] =	ssyncadd.remote.s32 $0x1  }
0xbd: {  	_ =	sfence.sel $0xFFFF  }
0xbe: {  	[dreg:$0x0] =	wrdreg $0xFFFFFFFF;
	(pc) =	sbr.abs _section_cstart, $3  }
0xbf: {  	[dreg:$0x1] =	wrdreg $0xFFFFFFFF  }
0xc0: {  	_ =	task.clear_ibuf [dreg:s6], $0x2FFFF;
	_ =	strace $0x9FFFFFFF  }
0xc1: {  	(tm) =	ssettm $0x7FFFFFFF  }
tec
execute0_lowered:
.L_overlay_start_1:
0x0: {  	(tag) =	ssettag $0x1  }
0x1: {  	s4 =	rddreg [dreg:$0x0]  }
0x2: {  	s0 =	rddreg [dreg:$0x1];
	s3 =	srdreg.scid  }
0x3: {  	s1 =	stileid.u32;
	s2 =	simm.s32 $0x0;
	s10 =	simm.s32 $0x1  }
0x4: {  	s11 =	simm.s32 $0x7080;
	s3 =	sand.u32 $0x1, s3;
	s5 =	sshll.u32 s1, $0x1  }
0x5: {  	s12 =	simm.s32 $0x0;
	[smem:$0x7FF] =	sst s2;
	s5 =	sor.u32 s3, s5  }
0x6: {  	_ =	strace $0x80000047;
	s7 =	ssub.s32 $0x2, s3;
	s3 =	sadd.s32 $0xE00C00, s4  }
0x7: {  	s6 =	smul.u32 $0xC40, s5;
	s8 =	sshll.u32 s5, $0x2;
	s9 =	sshrl.u32 s7, $0x1  }
0x8: {  	s8 =	sadd.s32 s8, s4;
	s7 =	ssub.s32 s7, s9;
	s9 =	simm.s32 $0x70  }
0x9: {  	v0 =	vlaneseq.u32;
	s6 =	sadd.s32 s6, s4;
	s4 =	sshll.u32 s5, $0x5;
	s5 =	sadd.s32 $0xA00, s8  }
0xa: {  	v1 =	vmul.u32 $0x51, v0;
	s7 =	smax.u32 s7, $0x1;
	s8 =	simm.s32 $0x2;
	s6 =	sadd.s32 $0xC00, s6  }
.LBB2_1:
0xb: {  	[tilespmem:s2], [sflag:$0x2] =	stream.linear.gather [hbm4b:s5+s2], $0x20, $0x38;
	[tilespmem:$0xD280] =	vst v63  }
0xc: {  	_ =	swait.ge [sflag:s8], $0x20  }
0xd: {  	[sflag:s8] =	ssyncset.done $0x0  }
0xe: {  	s13 =	simm.s32 $0x0;
	[sflag:s8] =	ssyncadd.s32 $0xFFFFFFE0  }
.LBB2_2:
0xf: {  	s14 =	sand.u32 $0x10, s13  }
0x10: {  	v2 =	vld [tilespmem:s14+$0x0];
	_ =	sdelay $0x1  }
0x11: {  	s28 =	sand.u32 $0xF, s13  }
0x12: {  	v3 =	vmov s28  }
0x13: {  	vm0 =	veq.s32 v3, v0  }
0x14: {  	v2 =	vnsel vm0, $0x0, v2  }
0x15: {  	(xrf0) =	vadd.scan.msk.s32 $0xffff, v2;
	_ =	sdelay $0x5  }
0x16: {  	v2, _, _ =	vpop (xrf0)  }
0x17: {  	(v2sf) =	vpush v2, $0xF;
	_ =	sdelay $0x4  }
0x18: {  	s16 =	simm.s32 $0x0  }
0x19: {  	s17 =	smul.u32 $0x25, s16;
	_ =	sdelay $0x1  }
0x1a: {  	s17 =	sshrl.u32 s17, $0x8  }
0x1b: {  	s18 =	ssub.s32 $0x0, s17  }
0x1c: {  	s18 =	sand.u32 $0xFE, s18  }
0x1d: {  	s19 =	sshrl.u32 s18, $0x1  }
0x1e: {  	s18 =	simm.s32 $0x1;
	s17 =	sadd.s32 s17, s19  }
0x1f: {  	s29 =	sadd.s32 s4, s13;
	s30 =	smul.u32 $0x25, s18;
	s17 =	sand.u32 $0xFC, s17  }
0x20: {  	s14 =	smul.u32 $0xF810, s29;
	s20 =	sshrl.u32 s17, $0x2;
	s17 =	simm.s32 $0x2  }
0x21: {  	s21 =	sshrl.u32 s30, $0x8;
	s22 =	smul.u32 $0x7, s20;
	s15 =	spop (v2sf)  }
0x22: {  	s23 =	ssub.s32 $0x1, s21;
	s15 =	sadd.s32 s14, s15;
	s14 =	smul.u32 $0x7, s13  }
0x23: {  	s19 =	smul.u32 $0x25, s17;
	s23 =	sand.u32 $0xFE, s23  }
0x24: {  	s22 =	ssub.s32 $0x0, s22;
	s23 =	sshrl.u32 s23, $0x1;
	s20 =	sadd.s32 s20, s14  }
0x25: {  	s22 =	sand.u32 $0xFF, s22;
	s21 =	sadd.s32 s21, s23;
	s20 =	sshll.u32 s20, $0x7  }
0x26: {  	s25 =	sshll.u32 s22, $0x4;
	s24 =	sadd.s32 $0x0, s15;
	s31 =	sand.u32 $0x3FFFFF80, s20  }
0x27: {  	s22 =	sand.u32 $0xFC, s21;
	v2 =	vadd.s32 s24, v1;
	s20 =	simm.s32 $0x3;
	s21 =	sor.u32 s25, s31  }
.LBB2_3:
0x28: {  	p0 =	seq.s32 s20, $0x30  }
0x29: {  	s22 =	sshrl.u32 s22, $0x2;
	[tilespmem:s21+$0x80] =	vst v2;
	s21 =	smov.u32 s18;
	s18 =	smov.u32 s17  }
0x2a: {  	s17 =	smov.u32 s20;
	s23 =	sshrl.u32 s19, $0x8;
	s19 =	smul.u32 $0x25, s20  }
0x2b: {  	s16 =	sadd.s32 $0x510, s16;
	s24 =	smul.u32 $0x7, s22  }
.Ltmp0:
0x2c: {  	s25 =	ssub.s32 s18, s23;
	s26 =	sadd.s32 s15, s16;
	(pc) =	sbr.rel @!p0 .LBB2_3-.Ltmp0, $4  }
0x2d: {  	s22 =	sadd.s32 s22, s14;
	s25 =	sand.u32 $0xFE, s25;
	s21 =	ssub.s32 s21, s24  }
0x2e: {  	s22 =	sshll.u32 s22, $0x7;
	s24 =	sshrl.u32 s25, $0x1;
	s21 =	sand.u32 $0xFF, s21  }
0x2f: {  	s23 =	sadd.s32 s23, s24;
	s24 =	sand.u32 $0x3FFFFF80, s22;
	s21 =	sshll.u32 s21, $0x4  }
0x30: {  	s20 =	sadd.s32 $0x1, s20;
	v2 =	vadd.s32 s26, v1;
	s22 =	sand.u32 $0xFC, s23;
	s21 =	sor.u32 s21, s24  }
0x31: {  	s19 =	sshrl.u32 s19, $0x8  }
0x32: {  	s20 =	ssub.s32 s17, s19  }
0x33: {  	s20 =	sand.u32 $0xFE, s20  }
0x34: {  	s20 =	sshrl.u32 s20, $0x1  }
0x35: {  	s22 =	sshrl.u32 s22, $0x2;
	s16 =	sadd.s32 $0x510, s16;
	s19 =	sadd.s32 s19, s20  }
0x36: {  	s23 =	smul.u32 $0x7, s22;
	s25 =	sadd.s32 s22, s14;
	s19 =	sand.u32 $0xFC, s19  }
0x37: {  	s28 =	sadd.s32 s15, s16;
	s16 =	sadd.s32 $0x510, s16;
	s19 =	sshrl.u32 s19, $0x2  }
0x38: {  	s18 =	ssub.s32 s18, s23;
	s20 =	sshll.u32 s25, $0x7;
	s26 =	smul.u32 $0x7, s19  }
0x39: {  	s30 =	sadd.s32 s15, s16;
	s18 =	sand.u32 $0xFF, s18;
	s20 =	sand.u32 $0x3FFFFF80, s20  }
0x3a: {  	s18 =	sshll.u32 s18, $0x4;
	s19 =	sadd.s32 s19, s14;
	s29 =	ssub.s32 s17, s26  }
0x3b: {  	[tilespmem:s21+$0x80] =	vst v2;
	v2 =	vadd.s32 s28, v1;
	s18 =	sor.u32 s18, s20;
	s19 =	sshll.u32 s19, $0x7;
	s17 =	sand.u32 $0xFF, s29  }
0x3c: {  	[tilespmem:s18+$0x80] =	vst v2;
	s18 =	smul.u32 $0xE00, s13;
	s31 =	sand.u32 $0x3FFFFF80, s19;
	s17 =	sshll.u32 s17, $0x4  }
0x3d: {  	s20 =	sshll.u32 s14, $0x7;
	s16 =	sor.u32 s17, s31;
	s17 =	smul.u32 $0xC40, s13  }
0x3e: {  	v2 =	vadd.s32 s30, v1;
	s22 =	sadd.s32 $0x80, s20;
	s24 =	sadd.s32 $0x100, s20;
	s19 =	smul.u32 $0x1C0, s14  }
0x3f: {  	s26 =	sadd.s32 $0x180, s20;
	[tilespmem:s16+$0x80] =	vst v2;
	s16 =	sshra.s32 s18, $0x2;
	s15 =	sshra.s32 s17, $0x2  }
0x40: {  	s21 =	sadd.s32 $0x1C0, s19;
	s16 =	sadd.s32 $0x80, s16;
	s15 =	sadd.s32 $0x7080, s15  }
0x41: {  	[tilespmem:s15], [sflag:$0x1] =	stream.indirect.gather [hbm4b:s3+s9], $0x1, s16, s9, $0xb8;
	[tilespmem:$0xD280] =	vst v63  }
0x42: {  	s14 =	sadd.s32 $0x300, s20;
	s17 =	sand.u32 $0x3FFFFF80, s22;
	s16 =	sshra.s32 s21, $0x2  }
0x43: {  	s23 =	sadd.s32 $0x380, s19;
	s17 =	sadd.s32 $0x80, s17;
	s16 =	sadd.s32 $0x7080, s16  }
0x44: {  	[tilespmem:s16], [sflag:$0x1] =	stream.indirect.gather [hbm4b:s3+s9], $0x1, s17, s9, $0xb8;
	[tilespmem:$0xD280] =	vst v63  }
0x45: {  	s29 =	sadd.s32 $0x200, s20;
	s16 =	sshra.s32 s23, $0x2;
	s17 =	sand.u32 $0x3FFFFF80, s24  }
0x46: {  	s25 =	sadd.s32 $0x540, s19;
	s16 =	sadd.s32 $0x7080, s16;
	s17 =	sadd.s32 $0x80, s17  }
0x47: {  	[tilespmem:s16], [sflag:$0x1] =	stream.indirect.gather [hbm4b:s3+s9], $0x1, s17, s9, $0xb8;
	[tilespmem:$0xD280] =	vst v63  }
0x48: {  	s14 =	sand.u32 $0x3FFFFF80, s14;
	s16 =	sshra.s32 s25, $0x2;
	s17 =	sand.u32 $0x3FFFFF80, s26  }
0x49: {  	s28 =	sadd.s32 $0x700, s19;
	s16 =	sadd.s32 $0x7080, s16;
	s17 =	sadd.s32 $0x80, s17  }
0x4a: {  	[tilespmem:s16], [sflag:$0x1] =	stream.indirect.gather [hbm4b:s3+s9], $0x1, s17, s9, $0xb8;
	[tilespmem:$0xD280] =	vst v63  }
0x4b: {  	s30 =	sadd.s32 $0x8C0, s19;
	s16 =	sshra.s32 s28, $0x2;
	s17 =	sand.u32 $0x3FFFFF80, s29  }
0x4c: {  	s31 =	sadd.s32 $0x280, s20;
	s16 =	sadd.s32 $0x7080, s16;
	s17 =	sadd.s32 $0x80, s17  }
0x4d: {  	[tilespmem:s16], [sflag:$0x1] =	stream.indirect.gather [hbm4b:s3+s9], $0x1, s17, s9, $0xb8;
	[tilespmem:$0xD280] =	vst v63  }
0x4e: {  	s15 =	sadd.s32 $0xA80, s19;
	s16 =	sshra.s32 s30, $0x2;
	s17 =	sand.u32 $0x3FFFFF80, s31  }
0x4f: {  	s15 =	sshra.s32 s15, $0x2;
	s16 =	sadd.s32 $0x7080, s16;
	s17 =	sadd.s32 $0x80, s17  }
0x50: {  	[tilespmem:s16], [sflag:$0x1] =	stream.indirect.gather [hbm4b:s3+s9], $0x1, s17, s9, $0xb8;
	[tilespmem:$0xD280] =	vst v63  }
0x51: {  	p0 =	seq.s32 s13, $0x0;
	s14 =	sadd.s32 $0x80, s14;
	s15 =	sadd.s32 $0x7080, s15  }
0x52: {  	[tilespmem:s15], [sflag:$0x1] =	stream.indirect.gather [hbm4b:s3+s9], $0x1, s14, s9, $0xb8;
	[tilespmem:$0xD280] =	vst v63  }
0x53: {  	s14 =	simm.s32 @!p0 $0x1  }
0x54: {  	_ =	swait.ge @!p0 [sflag:s14], $0x70  }
0x55: {  	[sflag:s14] =	ssyncset.done @!p0 $0x0  }
0x56: {  	[sflag:s14] =	ssyncadd.s32 @!p0 $0xFFFFFF90  }
0x57: {  	_ =	swait.ge @!p0 [sflag:s14], $0x70  }
0x58: {  	[sflag:s14] =	ssyncset.done @!p0 $0x0  }
0x59: {  	[sflag:s14] =	ssyncadd.s32 @!p0 $0xFFFFFF90  }
0x5a: {  	_ =	swait.ge @!p0 [sflag:s14], $0x70  }
0x5b: {  	[sflag:s14] =	ssyncset.done @!p0 $0x0  }
0x5c: {  	[sflag:s14] =	ssyncadd.s32 @!p0 $0xFFFFFF90  }
0x5d: {  	_ =	swait.ge @!p0 [sflag:s14], $0x70  }
0x5e: {  	[sflag:s14] =	ssyncset.done @!p0 $0x0  }
0x5f: {  	[sflag:s14] =	ssyncadd.s32 @!p0 $0xFFFFFF90  }
0x60: {  	_ =	swait.ge @!p0 [sflag:s14], $0x70  }
0x61: {  	[sflag:s14] =	ssyncset.done @!p0 $0x0  }
0x62: {  	[sflag:s14] =	ssyncadd.s32 @!p0 $0xFFFFFF90  }
0x63: {  	_ =	swait.ge @!p0 [sflag:s14], $0x70  }
0x64: {  	[sflag:s14] =	ssyncset.done @!p0 $0x0  }
0x65: {  	[sflag:s14] =	ssyncadd.s32 @!p0 $0xFFFFFF90  }
0x66: {  	_ =	swait.ge @!p0 [sflag:s14], $0x70  }
0x67: {  	s13 =	sadd.s32 $0x1, s13;
	[sflag:s14] =	ssyncset.done @!p0 $0x0  }
0x68: {  	[sflag:s14] =	ssyncadd.s32 @!p0 $0xFFFFFF90;
	p0 =	sne.s32 s13, $0x20  }
.Ltmp1:
0x69: {  	_ = 	snop;
	(pc) =	sbr.rel @p0 .LBB2_2-.Ltmp1, $1  }
0x6a: {  	_ =	sdelay $0x3  }
0x6b: {  	_ =	swait.ge [sflag:s10], $0x70  }
0x6c: {  	[sflag:s10] =	ssyncset.done $0x0  }
0x6d: {  	[sflag:s10] =	ssyncadd.s32 $0xFFFFFF90  }
0x6e: {  	_ =	swait.ge [sflag:s10], $0x70  }
0x6f: {  	[sflag:s10] =	ssyncset.done $0x0  }
0x70: {  	[sflag:s10] =	ssyncadd.s32 $0xFFFFFF90  }
0x71: {  	_ =	swait.ge [sflag:s10], $0x70  }
0x72: {  	[sflag:s10] =	ssyncset.done $0x0  }
0x73: {  	[sflag:s10] =	ssyncadd.s32 $0xFFFFFF90  }
0x74: {  	_ =	swait.ge [sflag:s10], $0x70  }
0x75: {  	[sflag:s10] =	ssyncset.done $0x0  }
0x76: {  	[sflag:s10] =	ssyncadd.s32 $0xFFFFFF90  }
0x77: {  	_ =	swait.ge [sflag:s10], $0x70  }
0x78: {  	[sflag:s10] =	ssyncset.done $0x0  }
0x79: {  	[sflag:s10] =	ssyncadd.s32 $0xFFFFFF90  }
0x7a: {  	_ =	swait.ge [sflag:s10], $0x70  }
0x7b: {  	[sflag:s10] =	ssyncset.done $0x0  }
0x7c: {  	[sflag:s10] =	ssyncadd.s32 $0xFFFFFF90  }
0x7d: {  	s12 =	sadd.s32 $0x1, s12;
	_ =	swait.ge [sflag:s10], $0x70  }
0x7e: {  	p0 =	sne.s32 s12, s7;
	[sflag:s10] =	ssyncset.done $0x0  }
.Ltmp2:
0x7f: {  	[sflag:s10] =	ssyncadd.s32 $0xFFFFFF90;
	(pc) =	sbr.rel @p0 .LBB2_1-.Ltmp2, $4  }
0x80: {  	[hbm4b:s6+s2] =	stream.linear.scatter [tilespmem:s11], [sflag:$0x2], $0x6200, $0x38;
	[tilespmem:$0xD280] =	vst v63  }
0x81: {  	_ =	swait.ge [sflag:s8], $0x6200  }
0x82: {  	[sflag:s8] =	ssyncset.done $0x0  }
0x83: {  	[sflag:s8] =	ssyncadd.s32 $0xFFFF9E00  }
0x84: {  	_ =	sfence.sel $0x180000  }
0x85: {  	[bflag:$0x0] =	sbarrier.arrive $0xFFFF  }
0x86: {  	p0 =	sne.s32 s1, $0x0;
	_ =	strace $0x90000047  }
0x87: {  	s0 =	sadd.s32 @!p0 $0x100000, s0;
	[bflag:$0x2] =	sbarrier.arrive $0xFFFF  }
0x88: {  	[sflag:s0] =	ssyncadd.tile.s32 @!p0 $0x1;
	_ =	shalt  }
.Lfunc_end2:
_tile_overlayer_lowered:
.L_overlay_start_2:
0x89: {  	(tag) =	ssettag $0x2  }
0x8a: {  	s0 =	rddreg [dreg:$0x0];
	s2 =	stileid.u32  }
0x8b: {  	s1 =	rddreg [dreg:$0x1];
	p0 =	sne.s32 s2, $0x0  }
0x8c: {  	s3 =	rddreg [dreg:$0x2];
	[bflag:$0x3] =	sbarrier.arrive $0xFFFF;
	s2 =	simm.s32 @!p0 $0x1C02  }
0x8d: {  	[timem:s3], [sflag:s2] =	dma.local @!p0 [hbm:s0], s1  }
0x8e: {  	s0 =	simm.s32 @!p0 $0x2  }
0x8f: {  	_ =	swait.ge @!p0 [sflag:s0], s1  }
0x90: {  	s1 =	ssub.s32 @!p0 $0x0, s1;
	[sflag:s0] =	ssyncset.done @!p0 $0x0  }
0x91: {  	[sflag:s0] =	ssyncadd.s32 @!p0 s1  }
0x92: {  	[bflag:$0x3] =	sbarrier.arrive $0xFFFF  }
0x93: {  	_ =	shalt  }

</sc_bundles>
